<compile_context>
chip_gen: v7x
topology: tpu7x:2x2x1
jax: 0.10.2.dev20260603
libtpu: 0.0.44.dev20260713+nightly
codegen_flags: <defaults>
</compile_context>

<pallas_src>
import jax
import jax.numpy as jnp
from jax import lax
from jax.experimental import pallas as pl
from jax.experimental.pallas import tpu as pltpu
from jax.experimental.pallas import tpu_sc as plsc

BATCH = 4096
MAX_LEN = 200
EMB_DIM = 64
OUT_DIM = 8
VROWS = 1000002

L = 16
G0 = 128
G1 = 72
PADW = 256
NW = 32
BPW = BATCH // NW

KB = 8192
NB = 62
H = NB * KB


def _pack_body(a_ref, b_ref, o_ref):
    o_ref[:, 0:EMB_DIM] = jnp.transpose(a_ref[:])
    o_ref[:, EMB_DIM:128] = jnp.transpose(b_ref[:])


def _tc_pack(tT):
    return pl.pallas_call(
        _pack_body,
        grid=(NB,),
        in_specs=[
            pl.BlockSpec((EMB_DIM, KB), lambda i: (0, i)),
            pl.BlockSpec(
                (EMB_DIM, KB),
                lambda i: (0, jnp.minimum(NB + i, (VROWS - 1) // KB)),
            ),
        ],
        out_specs=pl.BlockSpec((KB, 128), lambda i: (i, 0)),
        out_shape=jax.ShapeDtypeStruct((H, 128), jnp.float32),
    )(tT, tT)


def _relayout_body(d_ref, o_ref):
    x = d_ref[:]
    x = jnp.where(x < H, 2 * x, 2 * x - (2 * H - 1))
    x = jnp.concatenate(
        [x, jnp.zeros((BATCH, PADW - MAX_LEN), jnp.int32)], axis=1)
    o_ref[:] = jnp.reshape(x, (BATCH * 2, 128))


def _tc_relayout(data_i):
    return pl.pallas_call(
        _relayout_body,
        out_shape=jax.ShapeDtypeStruct((BATCH * 2, 128), jnp.int32),
    )(data_i)


def _sc_body(dlin, table, out_hbm, idxblk,
             rows0a, rows1a, rows0b, rows1b, outbuf, sema, semb):
    nc = 2
    wid = lax.axis_index("s") * nc + lax.axis_index("c")
    base = wid * BPW

    pltpu.sync_copy(dlin.at[pl.ds(2 * base, 2 * BPW), :], idxblk)

    def issue(b, r0, r1, sem):
        pltpu.async_copy(table.at[idxblk.at[2 * b]], r0, sem)
        pltpu.async_copy(table.at[idxblk.at[2 * b + 1, pl.ds(0, G1)]], r1, sem)

    def wait(r0, r1, sem):
        pltpu.make_async_copy(table.at[idxblk.at[0]], r0, sem).wait()
        pltpu.make_async_copy(table.at[idxblk.at[1, pl.ds(0, G1)]], r1, sem).wait()

    def consume(b, r0, r1):
        def acc2(j, acc):
            a0, a1, a2, a3 = acc
            a0 = a0 + r0[j, pl.ds(0 * L, L)] + r1[j, pl.ds(0 * L, L)]
            a1 = a1 + r0[j, pl.ds(1 * L, L)] + r1[j, pl.ds(1 * L, L)]
            a2 = a2 + r0[j, pl.ds(2 * L, L)] + r1[j, pl.ds(2 * L, L)]
            a3 = a3 + r0[j, pl.ds(3 * L, L)] + r1[j, pl.ds(3 * L, L)]
            return (a0, a1, a2, a3)

        def acc1(j, acc):
            a0, a1, a2, a3 = acc
            a0 = a0 + r0[j, pl.ds(0 * L, L)]
            a1 = a1 + r0[j, pl.ds(1 * L, L)]
            a2 = a2 + r0[j, pl.ds(2 * L, L)]
            a3 = a3 + r0[j, pl.ds(3 * L, L)]
            return (a0, a1, a2, a3)

        zf = jnp.zeros((L,), jnp.float32)
        acc = lax.fori_loop(0, G1, acc2, (zf, zf, zf, zf))
        acc = lax.fori_loop(G1, G0, acc1, acc)
        for d in range(4):
            outbuf[pl.ds(b * EMB_DIM + d * L, L)] = acc[d]

    issue(0, rows0a, rows1a, sema)

    def per_pair(g, _):
        b0 = pl.multiple_of(g * 2, 2)
        issue(b0 + 1, rows0b, rows1b, semb)
        wait(rows0a, rows1a, sema)
        consume(b0, rows0a, rows1a)

        @pl.when(g < BPW // 2 - 1)
        def _issue_next():
            issue(b0 + 2, rows0a, rows1a, sema)

        wait(rows0b, rows1b, semb)
        consume(b0 + 1, rows0b, rows1b)
        return _

    lax.fori_loop(0, BPW // 2, per_pair, None)
    pltpu.sync_copy(outbuf, out_hbm.at[pl.ds(base * EMB_DIM, BPW * EMB_DIM)])


def _sc_gather_sum(dlin, table):
    mesh = plsc.VectorSubcoreMesh(core_axis_name="c", subcore_axis_name="s")
    return pl.kernel(
        _sc_body,
        mesh=mesh,
        compiler_params=pltpu.CompilerParams(use_tc_tiling_on_sc=False),
        out_type=jax.ShapeDtypeStruct((BATCH * EMB_DIM,), jnp.float32),
        scratch_types=[
            pltpu.VMEM((2 * BPW, 128), jnp.int32),
            pltpu.VMEM((G0, EMB_DIM), jnp.float32),
            pltpu.VMEM((G1, EMB_DIM), jnp.float32),
            pltpu.VMEM((G0, EMB_DIM), jnp.float32),
            pltpu.VMEM((G1, EMB_DIM), jnp.float32),
            pltpu.VMEM((BPW * EMB_DIM,), jnp.float32),
            pltpu.SemaphoreType.DMA,
            pltpu.SemaphoreType.DMA,
        ],
    )(dlin, table)


def _finish_body(s_ref, d_ref, r0_ref, l_ref, w_ref, b_ref, o_ref):
    cnt = jnp.sum(jnp.where(d_ref[:] == 0, 1.0, 0.0), axis=1, keepdims=True)
    x = (s_ref[:] - cnt * r0_ref[:]) / l_ref[:]
    o_ref[:] = jnp.dot(x, w_ref[:], preferred_element_type=jnp.float32) + b_ref[:]


def _tc_finish(sums, data_i, row0, lenf, w1t, b1r):
    return pl.pallas_call(
        _finish_body,
        out_shape=jax.ShapeDtypeStruct((BATCH, OUT_DIM), jnp.float32),
    )(sums, data_i, row0, lenf, w1t, b1r)


def kernel(data, length, embed_table, W1, b1):
    data_i = data.astype(jnp.int32)
    pack = _tc_pack(embed_table.T)
    dlin = _tc_relayout(data_i)
    sums = _sc_gather_sum(dlin, pack.reshape(2 * H, EMB_DIM)).reshape(
        BATCH, EMB_DIM)
    lenf = length.astype(jnp.float32).reshape(BATCH, 1)
    return _tc_finish(sums, data_i, embed_table[0:1], lenf, W1.T,
                      b1.reshape(1, OUT_DIM))

# --- scband reference (transcript-rebuilt; emitter-appended) ---
"""Pipeline reference for scband-fast-text-48954037240039 (READ-ONLY COPY).

The authoritative reference and input builder live on the scoring server;
editing this copy changes nothing except your own understanding.
"""

import jax, jax.numpy as jnp
import numpy as np

VOCAB_SIZE = 1000000
EMB_DIM = 64
OUT_DIM = 8
BATCH = 4096
MAX_LEN = 200


def setup_inputs(seed: int = 0) -> dict:
    key = jax.random.key(seed)
    k1, k2, k3, k4 = jax.random.split(key, 4)
    data = jax.random.randint(k1, (BATCH, MAX_LEN), 0, VOCAB_SIZE)
    # lengths must be >= 1 to avoid division by zero (matches real padded batches)
    length = jax.random.randint(k2, (BATCH,), 1, MAX_LEN + 1)
    # embedding table: vocab_size + 2 rows, padding_idx=0, init uniform(-0.1, 0.1)
    embed_table = jax.random.uniform(k3, (VOCAB_SIZE + 2, EMB_DIM), minval=-0.1, maxval=0.1, dtype=jnp.float32)
    W1 = jax.random.uniform(k4, (OUT_DIM, EMB_DIM), minval=-0.1, maxval=0.1, dtype=jnp.float32)
    b1 = jnp.zeros((OUT_DIM,), dtype=jnp.float32)
    return {"data": data, "length": length, "embed_table": embed_table, "W1": W1, "b1": b1}


def reference(data, length, embed_table, W1, b1):
    # padding_idx=0 -> row 0 of the table is zero
    table = embed_table.at[0].set(0.0)
    # embedding lookup: gather rows -> [B, L, D]
    out = jnp.take(table, data, axis=0)
    # sum over sequence dim
    out = jnp.sum(out, axis=1)
    # divide by (non-padded) length
    out = out / length.astype(jnp.float32)[:, None]
    # linear layer: y = x @ W1.T + b1
    out = out @ W1.T + b1
    return out

if __name__ == "__main__":
    import jax
    _d = setup_inputs()
    print(jax.jit(kernel)(*tuple(_d.values())))

</pallas_src>

<mosaic_0001>
#map = affine_map<(d0, d1) -> (0, 0)>
#map1 = affine_map<(d0, d1) -> (0)>
module attributes {stable_mosaic.version = 14 : i64} {
  func.func @_sc_body(%arg0: i32, %arg1: i32, %arg2: memref<8192x128xi32, #tpu.memory_space<hbm>>, %arg3: memref<1015808x64xf32, #tpu.memory_space<hbm>>, %arg4: memref<262144xf32, #tpu.memory_space<hbm>>, %arg5: memref<256x128xi32, #tpu.memory_space<vmem>>, %arg6: memref<128x64xf32, #tpu.memory_space<vmem>>, %arg7: memref<72x64xf32, #tpu.memory_space<vmem>>, %arg8: memref<128x64xf32, #tpu.memory_space<vmem>>, %arg9: memref<72x64xf32, #tpu.memory_space<vmem>>, %arg10: memref<8192xf32, #tpu.memory_space<vmem>>, %arg11: memref<!tpu.dma_semaphore, #tpu.memory_space<semaphore_mem>>, %arg12: memref<!tpu.dma_semaphore, #tpu.memory_space<semaphore_mem>>) attributes {dimension_semantics = [#tpu.dimension_semantics<core_parallel>, #tpu.dimension_semantics<subcore_parallel>], iteration_bounds = array<i64: 2, 16>, scalar_prefetch = 0 : i64, scratch_operands = 8 : i64, tpu.core_type = #tpu.core_type<sc_vector_subcore>, window_params = [{transform_indices = #map}, {transform_indices = #map}, {transform_indices = #map1}]} {
    %mul3A = arith.constant 2 : i32
    %mul3A_0 = arith.muli %arg1, %mul3A : i32
    %add3A = arith.addi %mul3A_0, %arg0 : i32
    %mul3A_1 = arith.constant 128 : i32
    %mul3A_2 = arith.muli %add3A, %mul3A_1 : i32
    %mul3A_3 = arith.constant 2 : i32
    %mul3A_4 = arith.muli %mul3A_3, %mul3A_2 : i32
    "tpu.region"() ({
      %run_scoped3A = tpu.sem_alloc : memref<!tpu.dma_semaphore, #tpu.memory_space<semaphore_mem>>
      %dma_start3A_24 = arith.constant 0 : i32
      %dma_start3A_25 = tpu.memref_slice %arg2[%mul3A_4, %dma_start3A_24] : memref<8192x128xi32, #tpu.memory_space<hbm>> -> memref<256x128xi32, #tpu.memory_space<hbm>>
      %dma_start3A_26 = arith.constant 0 : i32
      %dma_start3A_27 = tpu.memref_slice %arg2[%mul3A_4, %dma_start3A_26] : memref<8192x128xi32, #tpu.memory_space<hbm>> -> memref<256x128xi32, #tpu.memory_space<hbm>>
      tpu.enqueue_dma source(%dma_start3A_27 : memref<256x128xi32, #tpu.memory_space<hbm>>) target(%arg5 : memref<256x128xi32, #tpu.memory_space<vmem>>) target_semaphore(%run_scoped3A : memref<!tpu.dma_semaphore, #tpu.memory_space<semaphore_mem>>)
      %dma_wait3A = arith.constant 0 : i32
      %dma_wait3A_28 = tpu.memref_slice %arg2[%mul3A_4, %dma_wait3A] : memref<8192x128xi32, #tpu.memory_space<hbm>> -> memref<256x128xi32, #tpu.memory_space<hbm>>
      %dma_wait3A_29 = arith.constant 0 : i32
      %dma_wait3A_30 = tpu.memref_slice %arg2[%mul3A_4, %dma_wait3A_29] : memref<8192x128xi32, #tpu.memory_space<hbm>> -> memref<256x128xi32, #tpu.memory_space<hbm>>
      tpu.wait_dma2 semaphore(%run_scoped3A : memref<!tpu.dma_semaphore, #tpu.memory_space<semaphore_mem>>) src(%dma_wait3A_30 : memref<256x128xi32, #tpu.memory_space<hbm>>) dst(%arg5 : memref<256x128xi32, #tpu.memory_space<vmem>>)
      tpu.yield
    }) : () -> ()
    %dma_start3A = arith.constant 0 : i32
    %dma_start3A_5 = arith.constant 0 : i32
    %dma_start3A_6 = tpu.memref_slice %arg5[%dma_start3A, %dma_start3A_5] : memref<256x128xi32, #tpu.memory_space<vmem>> -> memref<1x128xi32, #tpu.memory_space<vmem>>
    %dma_start3A_7 = tpu.memref_squeeze %dma_start3A_6 : memref<1x128xi32, #tpu.memory_space<vmem>> -> memref<128xi32, #tpu.memory_space<vmem>>
    %dma_start3A_8 = arith.constant 0 : i32
    %dma_start3A_9 = arith.constant 0 : i32
    %dma_start3A_10 = tpu.memref_slice %arg3[%dma_start3A_8, %dma_start3A_9] : memref<1015808x64xf32, #tpu.memory_space<hbm>> -> memref<1015808x64xf32, #tpu.memory_space<hbm>>
    tpu.enqueue_indirect_dma source(%dma_start3A_10 : memref<1015808x64xf32, #tpu.memory_space<hbm>>) target(%arg6 : memref<128x64xf32, #tpu.memory_space<vmem>>) offsets(%dma_start3A_7 : memref<128xi32, #tpu.memory_space<vmem>>) semaphore(%arg11 : memref<!tpu.dma_semaphore, #tpu.memory_space<semaphore_mem>>)
    %dma_start3A_11 = arith.constant 1 : i32
    %dma_start3A_12 = arith.constant 0 : i32
    %dma_start3A_13 = tpu.memref_slice %arg5[%dma_start3A_11, %dma_start3A_12] : memref<256x128xi32, #tpu.memory_space<vmem>> -> memref<1x72xi32, #tpu.memory_space<vmem>>
    %dma_start3A_14 = tpu.memref_squeeze %dma_start3A_13 : memref<1x72xi32, #tpu.memory_space<vmem>> -> memref<72xi32, #tpu.memory_space<vmem>>
    %dma_start3A_15 = arith.constant 0 : i32
    %dma_start3A_16 = arith.constant 0 : i32
    %dma_start3A_17 = tpu.memref_slice %arg3[%dma_start3A_15, %dma_start3A_16] : memref<1015808x64xf32, #tpu.memory_space<hbm>> -> memref<1015808x64xf32, #tpu.memory_space<hbm>>
    tpu.enqueue_indirect_dma source(%dma_start3A_17 : memref<1015808x64xf32, #tpu.memory_space<hbm>>) target(%arg7 : memref<72x64xf32, #tpu.memory_space<vmem>>) offsets(%dma_start3A_14 : memref<72xi32, #tpu.memory_space<vmem>>) semaphore(%arg11 : memref<!tpu.dma_semaphore, #tpu.memory_space<semaphore_mem>>)
    %scan3A = arith.constant 0 : i32
    %scan3A_18 = arith.constant 64 : i32
    %scan3A_19 = arith.addi %scan3A, %scan3A_18 : i32
    %scan3A_20 = arith.constant 1 : i32
    scf.for %scan3A_24 = %scan3A to %scan3A_19 step %scan3A_20  : i32 {
      %mul3A_25 = arith.constant 2 : i32
      %mul3A_26 = arith.muli %scan3A_24, %mul3A_25 : i32
      %multiple_of3A = tpu.assume_multiple %mul3A_26, 2 : i32
      %add3A_27 = arith.constant 1 : i32
      %add3A_28 = arith.addi %multiple_of3A, %add3A_27 : i32
      %mul3A_29 = arith.constant 2 : i32
      %mul3A_30 = arith.muli %mul3A_29, %add3A_28 : i32
      %dma_start3A_31 = arith.constant 0 : i32
      %dma_start3A_32 = tpu.memref_slice %arg5[%mul3A_30, %dma_start3A_31] : memref<256x128xi32, #tpu.memory_space<vmem>> -> memref<1x128xi32, #tpu.memory_space<vmem>>
      %dma_start3A_33 = tpu.memref_squeeze %dma_start3A_32 : memref<1x128xi32, #tpu.memory_space<vmem>> -> memref<128xi32, #tpu.memory_space<vmem>>
      %dma_start3A_34 = arith.constant 0 : i32
      %dma_start3A_35 = arith.constant 0 : i32
      %dma_start3A_36 = tpu.memref_slice %arg3[%dma_start3A_34, %dma_start3A_35] : memref<1015808x64xf32, #tpu.memory_space<hbm>> -> memref<1015808x64xf32, #tpu.memory_space<hbm>>
      tpu.enqueue_indirect_dma source(%dma_start3A_36 : memref<1015808x64xf32, #tpu.memory_space<hbm>>) target(%arg8 : memref<128x64xf32, #tpu.memory_space<vmem>>) offsets(%dma_start3A_33 : memref<128xi32, #tpu.memory_space<vmem>>) semaphore(%arg12 : memref<!tpu.dma_semaphore, #tpu.memory_space<semaphore_mem>>)
      %mul3A_37 = arith.constant 2 : i32
      %mul3A_38 = arith.muli %mul3A_37, %add3A_28 : i32
      %add3A_39 = arith.constant 1 : i32
      %add3A_40 = arith.addi %mul3A_38, %add3A_39 : i32
      %dma_start3A_41 = arith.constant 0 : i32
      %dma_start3A_42 = tpu.memref_slice %arg5[%add3A_40, %dma_start3A_41] : memref<256x128xi32, #tpu.memory_space<vmem>> -> memref<1x72xi32, #tpu.memory_space<vmem>>
      %dma_start3A_43 = tpu.memref_squeeze %dma_start3A_42 : memref<1x72xi32, #tpu.memory_space<vmem>> -> memref<72xi32, #tpu.memory_space<vmem>>
      %dma_start3A_44 = arith.constant 0 : i32
      %dma_start3A_45 = arith.constant 0 : i32
      %dma_start3A_46 = tpu.memref_slice %arg3[%dma_start3A_44, %dma_start3A_45] : memref<1015808x64xf32, #tpu.memory_space<hbm>> -> memref<1015808x64xf32, #tpu.memory_space<hbm>>
      tpu.enqueue_indirect_dma source(%dma_start3A_46 : memref<1015808x64xf32, #tpu.memory_space<hbm>>) target(%arg9 : memref<72x64xf32, #tpu.memory_space<vmem>>) offsets(%dma_start3A_43 : memref<72xi32, #tpu.memory_space<vmem>>) semaphore(%arg12 : memref<!tpu.dma_semaphore, #tpu.memory_space<semaphore_mem>>)
      %dma_wait3A = arith.constant 0 : i32
      %dma_wait3A_47 = arith.constant 0 : i32
      %dma_wait3A_48 = tpu.memref_slice %arg5[%dma_wait3A, %dma_wait3A_47] : memref<256x128xi32, #tpu.memory_space<vmem>> -> memref<1x128xi32, #tpu.memory_space<vmem>>
      %dma_wait3A_49 = tpu.memref_squeeze %dma_wait3A_48 : memref<1x128xi32, #tpu.memory_space<vmem>> -> memref<128xi32, #tpu.memory_space<vmem>>
      %dma_wait3A_50 = arith.constant 0 : i32
      %dma_wait3A_51 = arith.constant 0 : i32
      %dma_wait3A_52 = tpu.memref_slice %arg3[%dma_wait3A_50, %dma_wait3A_51] : memref<1015808x64xf32, #tpu.memory_space<hbm>> -> memref<1015808x64xf32, #tpu.memory_space<hbm>>
      tpu.wait_indirect_dma semaphore(%arg11 : memref<!tpu.dma_semaphore, #tpu.memory_space<semaphore_mem>>) src(%dma_wait3A_52 : memref<1015808x64xf32, #tpu.memory_space<hbm>>) dst(%arg6 : memref<128x64xf32, #tpu.memory_space<vmem>>)
      %dma_wait3A_53 = arith.constant 1 : i32
      %dma_wait3A_54 = arith.constant 0 : i32
      %dma_wait3A_55 = tpu.memref_slice %arg5[%dma_wait3A_53, %dma_wait3A_54] : memref<256x128xi32, #tpu.memory_space<vmem>> -> memref<1x72xi32, #tpu.memory_space<vmem>>
      %dma_wait3A_56 = tpu.memref_squeeze %dma_wait3A_55 : memref<1x72xi32, #tpu.memory_space<vmem>> -> memref<72xi32, #tpu.memory_space<vmem>>
      %dma_wait3A_57 = arith.constant 0 : i32
      %dma_wait3A_58 = arith.constant 0 : i32
      %dma_wait3A_59 = tpu.memref_slice %arg3[%dma_wait3A_57, %dma_wait3A_58] : memref<1015808x64xf32, #tpu.memory_space<hbm>> -> memref<1015808x64xf32, #tpu.memory_space<hbm>>
      tpu.wait_indirect_dma semaphore(%arg11 : memref<!tpu.dma_semaphore, #tpu.memory_space<semaphore_mem>>) src(%dma_wait3A_59 : memref<1015808x64xf32, #tpu.memory_space<hbm>>) dst(%arg7 : memref<72x64xf32, #tpu.memory_space<vmem>>)
      %broadcast_in_dim3A = arith.constant 0.000000e+00 : f32
      %broadcast_in_dim3A_60 = vector.broadcast %broadcast_in_dim3A : f32 to vector<16xf32>
      %scan3A_61 = arith.constant 0 : i32
      %scan3A_62 = arith.constant 72 : i32
      %scan3A_63 = arith.addi %scan3A_61, %scan3A_62 : i32
      %scan3A_64 = arith.constant 1 : i32
      %scan3A_65:4 = scf.for %scan3A_168 = %scan3A_61 to %scan3A_63 step %scan3A_64 iter_args(%scan3A_169 = %broadcast_in_dim3A_60, %scan3A_170 = %broadcast_in_dim3A_60, %scan3A_171 = %broadcast_in_dim3A_60, %scan3A_172 = %broadcast_in_dim3A_60) -> (vector<16xf32>, vector<16xf32>, vector<16xf32>, vector<16xf32>)  : i32 {
        %get3A = arith.index_cast %scan3A_168 : i32 to index
        %get3A_173 = arith.constant 0 : index
        %get3A_174 = tpu.vector_load %arg6[%get3A, %get3A_173] {strides = array<i32>} : memref<128x64xf32, #tpu.memory_space<vmem>>, vector<1x16xf32>,
        %get3A_175 = vector.shape_cast %get3A_174 : vector<1x16xf32> to vector<16xf32>
        %add3A_176 = arith.addf %scan3A_169, %get3A_175 : vector<16xf32>
        %get3A_177 = arith.index_cast %scan3A_168 : i32 to index
        %get3A_178 = arith.constant 0 : index
        %get3A_179 = tpu.vector_load %arg7[%get3A_177, %get3A_178] {strides = array<i32>} : memref<72x64xf32, #tpu.memory_space<vmem>>, vector<1x16xf32>,
        %get3A_180 = vector.shape_cast %get3A_179 : vector<1x16xf32> to vector<16xf32>
        %add3A_181 = arith.addf %add3A_176, %get3A_180 : vector<16xf32>
        %get3A_182 = arith.index_cast %scan3A_168 : i32 to index
        %get3A_183 = arith.constant 16 : index
        %get3A_184 = tpu.vector_load %arg6[%get3A_182, %get3A_183] {strides = array<i32>} : memref<128x64xf32, #tpu.memory_space<vmem>>, vector<1x16xf32>,
        %get3A_185 = vector.shape_cast %get3A_184 : vector<1x16xf32> to vector<16xf32>
        %add3A_186 = arith.addf %scan3A_170, %get3A_185 : vector<16xf32>
        %get3A_187 = arith.index_cast %scan3A_168 : i32 to index
        %get3A_188 = arith.constant 16 : index
        %get3A_189 = tpu.vector_load %arg7[%get3A_187, %get3A_188] {strides = array<i32>} : memref<72x64xf32, #tpu.memory_space<vmem>>, vector<1x16xf32>,
        %get3A_190 = vector.shape_cast %get3A_189 : vector<1x16xf32> to vector<16xf32>
        %add3A_191 = arith.addf %add3A_186, %get3A_190 : vector<16xf32>
        %get3A_192 = arith.index_cast %scan3A_168 : i32 to index
        %get3A_193 = arith.constant 32 : index
        %get3A_194 = tpu.vector_load %arg6[%get3A_192, %get3A_193] {strides = array<i32>} : memref<128x64xf32, #tpu.memory_space<vmem>>, vector<1x16xf32>,
        %get3A_195 = vector.shape_cast %get3A_194 : vector<1x16xf32> to vector<16xf32>
        %add3A_196 = arith.addf %scan3A_171, %get3A_195 : vector<16xf32>
        %get3A_197 = arith.index_cast %scan3A_168 : i32 to index
        %get3A_198 = arith.constant 32 : index
        %get3A_199 = tpu.vector_load %arg7[%get3A_197, %get3A_198] {strides = array<i32>} : memref<72x64xf32, #tpu.memory_space<vmem>>, vector<1x16xf32>,
        %get3A_200 = vector.shape_cast %get3A_199 : vector<1x16xf32> to vector<16xf32>
        %add3A_201 = arith.addf %add3A_196, %get3A_200 : vector<16xf32>
        %get3A_202 = arith.index_cast %scan3A_168 : i32 to index
        %get3A_203 = arith.constant 48 : index
        %get3A_204 = tpu.vector_load %arg6[%get3A_202, %get3A_203] {strides = array<i32>} : memref<128x64xf32, #tpu.memory_space<vmem>>, vector<1x16xf32>,
        %get3A_205 = vector.shape_cast %get3A_204 : vector<1x16xf32> to vector<16xf32>
        %add3A_206 = arith.addf %scan3A_172, %get3A_205 : vector<16xf32>
        %get3A_207 = arith.index_cast %scan3A_168 : i32 to index
        %get3A_208 = arith.constant 48 : index
        %get3A_209 = tpu.vector_load %arg7[%get3A_207, %get3A_208] {strides = array<i32>} : memref<72x64xf32, #tpu.memory_space<vmem>>, vector<1x16xf32>,
        %get3A_210 = vector.shape_cast %get3A_209 : vector<1x16xf32> to vector<16xf32>
        %add3A_211 = arith.addf %add3A_206, %get3A_210 : vector<16xf32>
        scf.yield %add3A_181, %add3A_191, %add3A_201, %add3A_211 : vector<16xf32>, vector<16xf32>, vector<16xf32>, vector<16xf32>
      }
      %scan3A_66 = arith.constant 72 : i32
      %scan3A_67 = arith.constant 72 : i32
      %scan3A_68 = arith.constant 56 : i32
      %scan3A_69 = arith.addi %scan3A_67, %scan3A_68 : i32
      %scan3A_70 = arith.constant 1 : i32
      %scan3A_71:4 = scf.for %scan3A_168 = %scan3A_67 to %scan3A_69 step %scan3A_70 iter_args(%scan3A_169 = %scan3A_65#0, %scan3A_170 = %scan3A_65#1, %scan3A_171 = %scan3A_65#2, %scan3A_172 = %scan3A_65#3) -> (vector<16xf32>, vector<16xf32>, vector<16xf32>, vector<16xf32>)  : i32 {
        %get3A = arith.index_cast %scan3A_168 : i32 to index
        %get3A_173 = arith.constant 0 : index
        %get3A_174 = tpu.vector_load %arg6[%get3A, %get3A_173] {strides = array<i32>} : memref<128x64xf32, #tpu.memory_space<vmem>>, vector<1x16xf32>,
        %get3A_175 = vector.shape_cast %get3A_174 : vector<1x16xf32> to vector<16xf32>
        %add3A_176 = arith.addf %scan3A_169, %get3A_175 : vector<16xf32>
        %get3A_177 = arith.index_cast %scan3A_168 : i32 to index
        %get3A_178 = arith.constant 16 : index
        %get3A_179 = tpu.vector_load %arg6[%get3A_177, %get3A_178] {strides = array<i32>} : memref<128x64xf32, #tpu.memory_space<vmem>>, vector<1x16xf32>,
        %get3A_180 = vector.shape_cast %get3A_179 : vector<1x16xf32> to vector<16xf32>
        %add3A_181 = arith.addf %scan3A_170, %get3A_180 : vector<16xf32>
        %get3A_182 = arith.index_cast %scan3A_168 : i32 to index
        %get3A_183 = arith.constant 32 : index
        %get3A_184 = tpu.vector_load %arg6[%get3A_182, %get3A_183] {strides = array<i32>} : memref<128x64xf32, #tpu.memory_space<vmem>>, vector<1x16xf32>,
        %get3A_185 = vector.shape_cast %get3A_184 : vector<1x16xf32> to vector<16xf32>
        %add3A_186 = arith.addf %scan3A_171, %get3A_185 : vector<16xf32>
        %get3A_187 = arith.index_cast %scan3A_168 : i32 to index
        %get3A_188 = arith.constant 48 : index
        %get3A_189 = tpu.vector_load %arg6[%get3A_187, %get3A_188] {strides = array<i32>} : memref<128x64xf32, #tpu.memory_space<vmem>>, vector<1x16xf32>,
        %get3A_190 = vector.shape_cast %get3A_189 : vector<1x16xf32> to vector<16xf32>
        %add3A_191 = arith.addf %scan3A_172, %get3A_190 : vector<16xf32>
        scf.yield %add3A_176, %add3A_181, %add3A_186, %add3A_191 : vector<16xf32>, vector<16xf32>, vector<16xf32>, vector<16xf32>
      }
      %scan3A_72 = arith.constant 56 : i32
      %mul3A_73 = arith.constant 64 : i32
      %mul3A_74 = arith.muli %multiple_of3A, %mul3A_73 : i32
      %add3A_75 = arith.constant 0 : i32
      %add3A_76 = arith.addi %mul3A_74, %add3A_75 : i32
      %swap3A = arith.index_cast %add3A_76 : i32 to index
      %swap3A_77 = tpu.vector_load %arg10[%swap3A] {strides = array<i32>} : memref<8192xf32, #tpu.memory_space<vmem>>, vector<16xf32>,
      %swap3A_78 = vector.shape_cast %swap3A_77 : vector<16xf32> to vector<16xf32>
      %swap3A_79 = vector.shape_cast %scan3A_71#0 : vector<16xf32> to vector<16xf32>
      tpu.vector_store %arg10[%swap3A], %swap3A_79 {strides = array<i32>} : memref<8192xf32, #tpu.memory_space<vmem>>, vector<16xf32>,
      %mul3A_80 = arith.constant 64 : i32
      %mul3A_81 = arith.muli %multiple_of3A, %mul3A_80 : i32
      %add3A_82 = arith.constant 16 : i32
      %add3A_83 = arith.addi %mul3A_81, %add3A_82 : i32
      %swap3A_84 = arith.index_cast %add3A_83 : i32 to index
      %swap3A_85 = tpu.vector_load %arg10[%swap3A_84] {strides = array<i32>} : memref<8192xf32, #tpu.memory_space<vmem>>, vector<16xf32>,
      %swap3A_86 = vector.shape_cast %swap3A_85 : vector<16xf32> to vector<16xf32>
      %swap3A_87 = vector.shape_cast %scan3A_71#1 : vector<16xf32> to vector<16xf32>
      tpu.vector_store %arg10[%swap3A_84], %swap3A_87 {strides = array<i32>} : memref<8192xf32, #tpu.memory_space<vmem>>, vector<16xf32>,
      %mul3A_88 = arith.constant 64 : i32
      %mul3A_89 = arith.muli %multiple_of3A, %mul3A_88 : i32
      %add3A_90 = arith.constant 32 : i32
      %add3A_91 = arith.addi %mul3A_89, %add3A_90 : i32
      %swap3A_92 = arith.index_cast %add3A_91 : i32 to index
      %swap3A_93 = tpu.vector_load %arg10[%swap3A_92] {strides = array<i32>} : memref<8192xf32, #tpu.memory_space<vmem>>, vector<16xf32>,
      %swap3A_94 = vector.shape_cast %swap3A_93 : vector<16xf32> to vector<16xf32>
      %swap3A_95 = vector.shape_cast %scan3A_71#2 : vector<16xf32> to vector<16xf32>
      tpu.vector_store %arg10[%swap3A_92], %swap3A_95 {strides = array<i32>} : memref<8192xf32, #tpu.memory_space<vmem>>, vector<16xf32>,
      %mul3A_96 = arith.constant 64 : i32
      %mul3A_97 = arith.muli %multiple_of3A, %mul3A_96 : i32
      %add3A_98 = arith.constant 48 : i32
      %add3A_99 = arith.addi %mul3A_97, %add3A_98 : i32
      %swap3A_100 = arith.index_cast %add3A_99 : i32 to index
      %swap3A_101 = tpu.vector_load %arg10[%swap3A_100] {strides = array<i32>} : memref<8192xf32, #tpu.memory_space<vmem>>, vector<16xf32>,
      %swap3A_102 = vector.shape_cast %swap3A_101 : vector<16xf32> to vector<16xf32>
      %swap3A_103 = vector.shape_cast %scan3A_71#3 : vector<16xf32> to vector<16xf32>
      tpu.vector_store %arg10[%swap3A_100], %swap3A_103 {strides = array<i32>} : memref<8192xf32, #tpu.memory_space<vmem>>, vector<16xf32>,
      %lt3A = arith.constant 63 : i32
      %lt3A_104 = arith.cmpi slt, %scan3A_24, %lt3A : i32
      %convert_element_type3A = arith.extui %lt3A_104 : i1 to i32
      %cond3A = arith.constant 0 : i32
      %cond3A_105 = arith.cmpi ne, %convert_element_type3A, %cond3A : i32
      scf.if %cond3A_105 {
        %add3A_168 = arith.constant 2 : i32
        %add3A_169 = arith.addi %multiple_of3A, %add3A_168 : i32
        %mul3A_170 = arith.constant 2 : i32
        %mul3A_171 = arith.muli %mul3A_170, %add3A_169 : i32
        %dma_start3A_172 = arith.constant 0 : i32
        %dma_start3A_173 = tpu.memref_slice %arg5[%mul3A_171, %dma_start3A_172] : memref<256x128xi32, #tpu.memory_space<vmem>> -> memref<1x128xi32, #tpu.memory_space<vmem>>
        %dma_start3A_174 = tpu.memref_squeeze %dma_start3A_173 : memref<1x128xi32, #tpu.memory_space<vmem>> -> memref<128xi32, #tpu.memory_space<vmem>>
        %dma_start3A_175 = arith.constant 0 : i32
        %dma_start3A_176 = arith.constant 0 : i32
        %dma_start3A_177 = tpu.memref_slice %arg3[%dma_start3A_175, %dma_start3A_176] : memref<1015808x64xf32, #tpu.memory_space<hbm>> -> memref<1015808x64xf32, #tpu.memory_space<hbm>>
        tpu.enqueue_indirect_dma source(%dma_start3A_177 : memref<1015808x64xf32, #tpu.memory_space<hbm>>) target(%arg6 : memref<128x64xf32, #tpu.memory_space<vmem>>) offsets(%dma_start3A_174 : memref<128xi32, #tpu.memory_space<vmem>>) semaphore(%arg11 : memref<!tpu.dma_semaphore, #tpu.memory_space<semaphore_mem>>)
        %mul3A_178 = arith.constant 2 : i32
        %mul3A_179 = arith.muli %mul3A_178, %add3A_169 : i32
        %add3A_180 = arith.constant 1 : i32
        %add3A_181 = arith.addi %mul3A_179, %add3A_180 : i32
        %dma_start3A_182 = arith.constant 0 : i32
        %dma_start3A_183 = tpu.memref_slice %arg5[%add3A_181, %dma_start3A_182] : memref<256x128xi32, #tpu.memory_space<vmem>> -> memref<1x72xi32, #tpu.memory_space<vmem>>
        %dma_start3A_184 = tpu.memref_squeeze %dma_start3A_183 : memref<1x72xi32, #tpu.memory_space<vmem>> -> memref<72xi32, #tpu.memory_space<vmem>>
        %dma_start3A_185 = arith.constant 0 : i32
        %dma_start3A_186 = arith.constant 0 : i32
        %dma_start3A_187 = tpu.memref_slice %arg3[%dma_start3A_185, %dma_start3A_186] : memref<1015808x64xf32, #tpu.memory_space<hbm>> -> memref<1015808x64xf32, #tpu.memory_space<hbm>>
        tpu.enqueue_indirect_dma source(%dma_start3A_187 : memref<1015808x64xf32, #tpu.memory_space<hbm>>) target(%arg7 : memref<72x64xf32, #tpu.memory_space<vmem>>) offsets(%dma_start3A_184 : memref<72xi32, #tpu.memory_space<vmem>>) semaphore(%arg11 : memref<!tpu.dma_semaphore, #tpu.memory_space<semaphore_mem>>)
      } else {
      }
      %dma_wait3A_106 = arith.constant 0 : i32
      %dma_wait3A_107 = arith.constant 0 : i32
      %dma_wait3A_108 = tpu.memref_slice %arg5[%dma_wait3A_106, %dma_wait3A_107] : memref<256x128xi32, #tpu.memory_space<vmem>> -> memref<1x128xi32, #tpu.memory_space<vmem>>
      %dma_wait3A_109 = tpu.memref_squeeze %dma_wait3A_108 : memref<1x128xi32, #tpu.memory_space<vmem>> -> memref<128xi32, #tpu.memory_space<vmem>>
      %dma_wait3A_110 = arith.constant 0 : i32
      %dma_wait3A_111 = arith.constant 0 : i32
      %dma_wait3A_112 = tpu.memref_slice %arg3[%dma_wait3A_110, %dma_wait3A_111] : memref<1015808x64xf32, #tpu.memory_space<hbm>> -> memref<1015808x64xf32, #tpu.memory_space<hbm>>
      tpu.wait_indirect_dma semaphore(%arg12 : memref<!tpu.dma_semaphore, #tpu.memory_space<semaphore_mem>>) src(%dma_wait3A_112 : memref<1015808x64xf32, #tpu.memory_space<hbm>>) dst(%arg8 : memref<128x64xf32, #tpu.memory_space<vmem>>)
      %dma_wait3A_113 = arith.constant 1 : i32
      %dma_wait3A_114 = arith.constant 0 : i32
      %dma_wait3A_115 = tpu.memref_slice %arg5[%dma_wait3A_113, %dma_wait3A_114] : memref<256x128xi32, #tpu.memory_space<vmem>> -> memref<1x72xi32, #tpu.memory_space<vmem>>
      %dma_wait3A_116 = tpu.memref_squeeze %dma_wait3A_115 : memref<1x72xi32, #tpu.memory_space<vmem>> -> memref<72xi32, #tpu.memory_space<vmem>>
      %dma_wait3A_117 = arith.constant 0 : i32
      %dma_wait3A_118 = arith.constant 0 : i32
      %dma_wait3A_119 = tpu.memref_slice %arg3[%dma_wait3A_117, %dma_wait3A_118] : memref<1015808x64xf32, #tpu.memory_space<hbm>> -> memref<1015808x64xf32, #tpu.memory_space<hbm>>
      tpu.wait_indirect_dma semaphore(%arg12 : memref<!tpu.dma_semaphore, #tpu.memory_space<semaphore_mem>>) src(%dma_wait3A_119 : memref<1015808x64xf32, #tpu.memory_space<hbm>>) dst(%arg9 : memref<72x64xf32, #tpu.memory_space<vmem>>)
      %add3A_120 = arith.constant 1 : i32
      %add3A_121 = arith.addi %multiple_of3A, %add3A_120 : i32
      %broadcast_in_dim3A_122 = arith.constant 0.000000e+00 : f32
      %broadcast_in_dim3A_123 = vector.broadcast %broadcast_in_dim3A_122 : f32 to vector<16xf32>
      %scan3A_124 = arith.constant 0 : i32
      %scan3A_125 = arith.constant 72 : i32
      %scan3A_126 = arith.addi %scan3A_124, %scan3A_125 : i32
      %scan3A_127 = arith.constant 1 : i32
      %scan3A_128:4 = scf.for %scan3A_168 = %scan3A_124 to %scan3A_126 step %scan3A_127 iter_args(%scan3A_169 = %broadcast_in_dim3A_123, %scan3A_170 = %broadcast_in_dim3A_123, %scan3A_171 = %broadcast_in_dim3A_123, %scan3A_172 = %broadcast_in_dim3A_123) -> (vector<16xf32>, vector<16xf32>, vector<16xf32>, vector<16xf32>)  : i32 {
        %get3A = arith.index_cast %scan3A_168 : i32 to index
        %get3A_173 = arith.constant 0 : index
        %get3A_174 = tpu.vector_load %arg8[%get3A, %get3A_173] {strides = array<i32>} : memref<128x64xf32, #tpu.memory_space<vmem>>, vector<1x16xf32>,
        %get3A_175 = vector.shape_cast %get3A_174 : vector<1x16xf32> to vector<16xf32>
        %add3A_176 = arith.addf %scan3A_169, %get3A_175 : vector<16xf32>
        %get3A_177 = arith.index_cast %scan3A_168 : i32 to index
        %get3A_178 = arith.constant 0 : index
        %get3A_179 = tpu.vector_load %arg9[%get3A_177, %get3A_178] {strides = array<i32>} : memref<72x64xf32, #tpu.memory_space<vmem>>, vector<1x16xf32>,
        %get3A_180 = vector.shape_cast %get3A_179 : vector<1x16xf32> to vector<16xf32>
        %add3A_181 = arith.addf %add3A_176, %get3A_180 : vector<16xf32>
        %get3A_182 = arith.index_cast %scan3A_168 : i32 to index
        %get3A_183 = arith.constant 16 : index
        %get3A_184 = tpu.vector_load %arg8[%get3A_182, %get3A_183] {strides = array<i32>} : memref<128x64xf32, #tpu.memory_space<vmem>>, vector<1x16xf32>,
        %get3A_185 = vector.shape_cast %get3A_184 : vector<1x16xf32> to vector<16xf32>
        %add3A_186 = arith.addf %scan3A_170, %get3A_185 : vector<16xf32>
        %get3A_187 = arith.index_cast %scan3A_168 : i32 to index
        %get3A_188 = arith.constant 16 : index
        %get3A_189 = tpu.vector_load %arg9[%get3A_187, %get3A_188] {strides = array<i32>} : memref<72x64xf32, #tpu.memory_space<vmem>>, vector<1x16xf32>,
        %get3A_190 = vector.shape_cast %get3A_189 : vector<1x16xf32> to vector<16xf32>
        %add3A_191 = arith.addf %add3A_186, %get3A_190 : vector<16xf32>
        %get3A_192 = arith.index_cast %scan3A_168 : i32 to index
        %get3A_193 = arith.constant 32 : index
        %get3A_194 = tpu.vector_load %arg8[%get3A_192, %get3A_193] {strides = array<i32>} : memref<128x64xf32, #tpu.memory_space<vmem>>, vector<1x16xf32>,
        %get3A_195 = vector.shape_cast %get3A_194 : vector<1x16xf32> to vector<16xf32>
        %add3A_196 = arith.addf %scan3A_171, %get3A_195 : vector<16xf32>
        %get3A_197 = arith.index_cast %scan3A_168 : i32 to index
        %get3A_198 = arith.constant 32 : index
        %get3A_199 = tpu.vector_load %arg9[%get3A_197, %get3A_198] {strides = array<i32>} : memref<72x64xf32, #tpu.memory_space<vmem>>, vector<1x16xf32>,
        %get3A_200 = vector.shape_cast %get3A_199 : vector<1x16xf32> to vector<16xf32>
        %add3A_201 = arith.addf %add3A_196, %get3A_200 : vector<16xf32>
        %get3A_202 = arith.index_cast %scan3A_168 : i32 to index
        %get3A_203 = arith.constant 48 : index
        %get3A_204 = tpu.vector_load %arg8[%get3A_202, %get3A_203] {strides = array<i32>} : memref<128x64xf32, #tpu.memory_space<vmem>>, vector<1x16xf32>,
        %get3A_205 = vector.shape_cast %get3A_204 : vector<1x16xf32> to vector<16xf32>
        %add3A_206 = arith.addf %scan3A_172, %get3A_205 : vector<16xf32>
        %get3A_207 = arith.index_cast %scan3A_168 : i32 to index
        %get3A_208 = arith.constant 48 : index
        %get3A_209 = tpu.vector_load %arg9[%get3A_207, %get3A_208] {strides = array<i32>} : memref<72x64xf32, #tpu.memory_space<vmem>>, vector<1x16xf32>,
        %get3A_210 = vector.shape_cast %get3A_209 : vector<1x16xf32> to vector<16xf32>
        %add3A_211 = arith.addf %add3A_206, %get3A_210 : vector<16xf32>
        scf.yield %add3A_181, %add3A_191, %add3A_201, %add3A_211 : vector<16xf32>, vector<16xf32>, vector<16xf32>, vector<16xf32>
      }
      %scan3A_129 = arith.constant 72 : i32
      %scan3A_130 = arith.constant 72 : i32
      %scan3A_131 = arith.constant 56 : i32
      %scan3A_132 = arith.addi %scan3A_130, %scan3A_131 : i32
      %scan3A_133 = arith.constant 1 : i32
      %scan3A_134:4 = scf.for %scan3A_168 = %scan3A_130 to %scan3A_132 step %scan3A_133 iter_args(%scan3A_169 = %scan3A_128#0, %scan3A_170 = %scan3A_128#1, %scan3A_171 = %scan3A_128#2, %scan3A_172 = %scan3A_128#3) -> (vector<16xf32>, vector<16xf32>, vector<16xf32>, vector<16xf32>)  : i32 {
        %get3A = arith.index_cast %scan3A_168 : i32 to index
        %get3A_173 = arith.constant 0 : index
        %get3A_174 = tpu.vector_load %arg8[%get3A, %get3A_173] {strides = array<i32>} : memref<128x64xf32, #tpu.memory_space<vmem>>, vector<1x16xf32>,
        %get3A_175 = vector.shape_cast %get3A_174 : vector<1x16xf32> to vector<16xf32>
        %add3A_176 = arith.addf %scan3A_169, %get3A_175 : vector<16xf32>
        %get3A_177 = arith.index_cast %scan3A_168 : i32 to index
        %get3A_178 = arith.constant 16 : index
        %get3A_179 = tpu.vector_load %arg8[%get3A_177, %get3A_178] {strides = array<i32>} : memref<128x64xf32, #tpu.memory_space<vmem>>, vector<1x16xf32>,
        %get3A_180 = vector.shape_cast %get3A_179 : vector<1x16xf32> to vector<16xf32>
        %add3A_181 = arith.addf %scan3A_170, %get3A_180 : vector<16xf32>
        %get3A_182 = arith.index_cast %scan3A_168 : i32 to index
        %get3A_183 = arith.constant 32 : index
        %get3A_184 = tpu.vector_load %arg8[%get3A_182, %get3A_183] {strides = array<i32>} : memref<128x64xf32, #tpu.memory_space<vmem>>, vector<1x16xf32>,
        %get3A_185 = vector.shape_cast %get3A_184 : vector<1x16xf32> to vector<16xf32>
        %add3A_186 = arith.addf %scan3A_171, %get3A_185 : vector<16xf32>
        %get3A_187 = arith.index_cast %scan3A_168 : i32 to index
        %get3A_188 = arith.constant 48 : index
        %get3A_189 = tpu.vector_load %arg8[%get3A_187, %get3A_188] {strides = array<i32>} : memref<128x64xf32, #tpu.memory_space<vmem>>, vector<1x16xf32>,
        %get3A_190 = vector.shape_cast %get3A_189 : vector<1x16xf32> to vector<16xf32>
        %add3A_191 = arith.addf %scan3A_172, %get3A_190 : vector<16xf32>
        scf.yield %add3A_176, %add3A_181, %add3A_186, %add3A_191 : vector<16xf32>, vector<16xf32>, vector<16xf32>, vector<16xf32>
      }
      %scan3A_135 = arith.constant 56 : i32
      %mul3A_136 = arith.constant 64 : i32
      %mul3A_137 = arith.muli %add3A_121, %mul3A_136 : i32
      %add3A_138 = arith.constant 0 : i32
      %add3A_139 = arith.addi %mul3A_137, %add3A_138 : i32
      %swap3A_140 = arith.index_cast %add3A_139 : i32 to index
      %swap3A_141 = tpu.vector_load %arg10[%swap3A_140] {strides = array<i32>} : memref<8192xf32, #tpu.memory_space<vmem>>, vector<16xf32>,
      %swap3A_142 = vector.shape_cast %swap3A_141 : vector<16xf32> to vector<16xf32>
      %swap3A_143 = vector.shape_cast %scan3A_134#0 : vector<16xf32> to vector<16xf32>
      tpu.vector_store %arg10[%swap3A_140], %swap3A_143 {strides = array<i32>} : memref<8192xf32, #tpu.memory_space<vmem>>, vector<16xf32>,
      %mul3A_144 = arith.constant 64 : i32
      %mul3A_145 = arith.muli %add3A_121, %mul3A_144 : i32
      %add3A_146 = arith.constant 16 : i32
      %add3A_147 = arith.addi %mul3A_145, %add3A_146 : i32
      %swap3A_148 = arith.index_cast %add3A_147 : i32 to index
      %swap3A_149 = tpu.vector_load %arg10[%swap3A_148] {strides = array<i32>} : memref<8192xf32, #tpu.memory_space<vmem>>, vector<16xf32>,
      %swap3A_150 = vector.shape_cast %swap3A_149 : vector<16xf32> to vector<16xf32>
      %swap3A_151 = vector.shape_cast %scan3A_134#1 : vector<16xf32> to vector<16xf32>
      tpu.vector_store %arg10[%swap3A_148], %swap3A_151 {strides = array<i32>} : memref<8192xf32, #tpu.memory_space<vmem>>, vector<16xf32>,
      %mul3A_152 = arith.constant 64 : i32
      %mul3A_153 = arith.muli %add3A_121, %mul3A_152 : i32
      %add3A_154 = arith.constant 32 : i32
      %add3A_155 = arith.addi %mul3A_153, %add3A_154 : i32
      %swap3A_156 = arith.index_cast %add3A_155 : i32 to index
      %swap3A_157 = tpu.vector_load %arg10[%swap3A_156] {strides = array<i32>} : memref<8192xf32, #tpu.memory_space<vmem>>, vector<16xf32>,
      %swap3A_158 = vector.shape_cast %swap3A_157 : vector<16xf32> to vector<16xf32>
      %swap3A_159 = vector.shape_cast %scan3A_134#2 : vector<16xf32> to vector<16xf32>
      tpu.vector_store %arg10[%swap3A_156], %swap3A_159 {strides = array<i32>} : memref<8192xf32, #tpu.memory_space<vmem>>, vector<16xf32>,
      %mul3A_160 = arith.constant 64 : i32
      %mul3A_161 = arith.muli %add3A_121, %mul3A_160 : i32
      %add3A_162 = arith.constant 48 : i32
      %add3A_163 = arith.addi %mul3A_161, %add3A_162 : i32
      %swap3A_164 = arith.index_cast %add3A_163 : i32 to index
      %swap3A_165 = tpu.vector_load %arg10[%swap3A_164] {strides = array<i32>} : memref<8192xf32, #tpu.memory_space<vmem>>, vector<16xf32>,
      %swap3A_166 = vector.shape_cast %swap3A_165 : vector<16xf32> to vector<16xf32>
      %swap3A_167 = vector.shape_cast %scan3A_134#3 : vector<16xf32> to vector<16xf32>
      tpu.vector_store %arg10[%swap3A_164], %swap3A_167 {strides = array<i32>} : memref<8192xf32, #tpu.memory_space<vmem>>, vector<16xf32>,
    }
    %scan3A_21 = arith.constant 64 : i32
    %mul3A_22 = arith.constant 64 : i32
    %mul3A_23 = arith.muli %mul3A_2, %mul3A_22 : i32
    "tpu.region"() ({
      %run_scoped3A = tpu.sem_alloc : memref<!tpu.dma_semaphore, #tpu.memory_space<semaphore_mem>>
      %dma_start3A_24 = tpu.memref_slice %arg4[%mul3A_23] : memref<262144xf32, #tpu.memory_space<hbm>> -> memref<8192xf32, #tpu.memory_space<hbm>>
      %dma_start3A_25 = tpu.memref_slice %arg4[%mul3A_23] : memref<262144xf32, #tpu.memory_space<hbm>> -> memref<8192xf32, #tpu.memory_space<hbm>>
      tpu.enqueue_dma source(%arg10 : memref<8192xf32, #tpu.memory_space<vmem>>) target(%dma_start3A_25 : memref<8192xf32, #tpu.memory_space<hbm>>) target_semaphore(%run_scoped3A : memref<!tpu.dma_semaphore, #tpu.memory_space<semaphore_mem>>)
      %dma_wait3A = tpu.memref_slice %arg4[%mul3A_23] : memref<262144xf32, #tpu.memory_space<hbm>> -> memref<8192xf32, #tpu.memory_space<hbm>>
      %dma_wait3A_26 = tpu.memref_slice %arg4[%mul3A_23] : memref<262144xf32, #tpu.memory_space<hbm>> -> memref<8192xf32, #tpu.memory_space<hbm>>
      tpu.wait_dma2 semaphore(%run_scoped3A : memref<!tpu.dma_semaphore, #tpu.memory_space<semaphore_mem>>) src(%arg10 : memref<8192xf32, #tpu.memory_space<vmem>>) dst(%dma_wait3A_26 : memref<8192xf32, #tpu.memory_space<hbm>>)
      tpu.yield
    }) : () -> ()
    return
  }
}

module attributes {stable_mosaic.version = 14 : i64} {
  func.func @_pack_body(%arg0: i32, %arg1: memref<64x8192xf32, #tpu.memory_space<vmem>>, %arg2: memref<64x8192xf32, #tpu.memory_space<vmem>>, %arg3: memref<8192x128xf32, #tpu.memory_space<vmem>>) attributes {dimension_semantics = [#tpu.dimension_semantics<arbitrary>], iteration_bounds = array<i64: 62>, scalar_prefetch = 0 : i64, scratch_operands = 0 : i64, tpu.core_type = #tpu.core_type<tc>, window_params = [{transform_indices = @transform_0, window_bounds = array<i64: 64, 8192>}, {transform_indices = @transform_1, window_bounds = array<i64: 64, 8192>}, {transform_indices = @transform_2, window_bounds = array<i64: 8192, 128>}]} {
    %get3A = arith.constant 0 : index
    %get3A_0 = arith.constant 0 : index
    %get3A_1 = vector.load %arg1[%get3A, %get3A_0] : memref<64x8192xf32, #tpu.memory_space<vmem>>, vector<64x8192xf32>
    %transpose3A = tpu.transpose %get3A_1, [1, 0] : vector<64x8192xf32> -> vector<8192x64xf32>
    %swap3A = arith.constant 0 : index
    %swap3A_2 = arith.constant 0 : index
    %swap3A_3 = vector.load %arg3[%swap3A, %swap3A_2] : memref<8192x128xf32, #tpu.memory_space<vmem>>, vector<8192x64xf32>
    tpu.vector_store %arg3[%swap3A, %swap3A_2], %transpose3A {strides = array<i32>} : memref<8192x128xf32, #tpu.memory_space<vmem>>, vector<8192x64xf32>,
    %get3A_4 = arith.constant 0 : index
    %get3A_5 = arith.constant 0 : index
    %get3A_6 = vector.load %arg2[%get3A_4, %get3A_5] : memref<64x8192xf32, #tpu.memory_space<vmem>>, vector<64x8192xf32>
    %transpose3A_7 = tpu.transpose %get3A_6, [1, 0] : vector<64x8192xf32> -> vector<8192x64xf32>
    %swap3A_8 = arith.constant 0 : index
    %swap3A_9 = arith.constant 64 : index
    %swap3A_10 = vector.load %arg3[%swap3A_8, %swap3A_9] : memref<8192x128xf32, #tpu.memory_space<vmem>>, vector<8192x64xf32>
    tpu.vector_store %arg3[%swap3A_8, %swap3A_9], %transpose3A_7 {strides = array<i32>} : memref<8192x128xf32, #tpu.memory_space<vmem>>, vector<8192x64xf32>,
    return
  }
  func.func @transform_0(%arg0: i32) -> (i32, i32) {
    %c0_i32 = arith.constant 0 : i32
    %c0_i32_0 = arith.constant 0 : i32
    return %c0_i32, %arg0 : i32, i32
  }
  func.func @transform_1(%arg0: i32) -> (i32, i32) {
    %add3A = arith.constant 62 : i32
    %add3A_0 = arith.addi %add3A, %arg0 : i32
    %min3A = arith.constant 122 : i32
    %min3A_1 = arith.minsi %add3A_0, %min3A : i32
    %c0_i32 = arith.constant 0 : i32
    %c0_i32_2 = arith.constant 0 : i32
    return %c0_i32, %min3A_1 : i32, i32
  }
  func.func @transform_2(%arg0: i32) -> (i32, i32) {
    %c0_i32 = arith.constant 0 : i32
    %c0_i32_0 = arith.constant 0 : i32
    return %arg0, %c0_i32 : i32, i32
  }
}

module attributes {stable_mosaic.version = 14 : i64} {
  func.func @_relayout_body(%arg0: memref<4096x200xi32, #tpu.memory_space<vmem>>, %arg1: memref<8192x128xi32, #tpu.memory_space<vmem>>) attributes {dimension_semantics = [], scalar_prefetch = 0 : i64, scratch_operands = 0 : i64, tpu.core_type = #tpu.core_type<tc>} {
    %get3A = arith.constant 0 : index
    %get3A_0 = arith.constant 0 : index
    %get3A_1 = vector.load %arg0[%get3A, %get3A_0] : memref<4096x200xi32, #tpu.memory_space<vmem>>, vector<4096x200xi32>
    %lt3A = arith.constant 507904 : i32
    %lt3A_2 = vector.broadcast %lt3A : i32 to vector<4096x200xi32>
    %lt3A_3 = arith.cmpi slt, %get3A_1, %lt3A_2 : vector<4096x200xi32>
    %mul3A = arith.constant 2 : i32
    %mul3A_4 = vector.broadcast %mul3A : i32 to vector<4096x200xi32>
    %mul3A_5 = arith.muli %mul3A_4, %get3A_1 : vector<4096x200xi32>
    %mul3A_6 = arith.constant 2 : i32
    %mul3A_7 = vector.broadcast %mul3A_6 : i32 to vector<4096x200xi32>
    %mul3A_8 = arith.muli %mul3A_7, %get3A_1 : vector<4096x200xi32>
    %sub3A = arith.constant 1015807 : i32
    %sub3A_9 = vector.broadcast %sub3A : i32 to vector<4096x200xi32>
    %sub3A_10 = arith.subi %mul3A_8, %sub3A_9 : vector<4096x200xi32>
    %select_n3A = arith.select %lt3A_3, %mul3A_5, %sub3A_10 : vector<4096x200xi1>, vector<4096x200xi32>
    %broadcast_in_dim3A = arith.constant 0 : i32
    %broadcast_in_dim3A_11 = vector.broadcast %broadcast_in_dim3A : i32 to vector<4096x56xi32>
    %concatenate3A = tpu.concatenate %select_n3A, %broadcast_in_dim3A_11 in 1 : vector<4096x200xi32>, vector<4096x56xi32> -> vector<4096x256xi32>
    %reshape3A = vector.shape_cast %concatenate3A : vector<4096x256xi32> to vector<8192x128xi32>
    %swap3A = arith.constant 0 : index
    %swap3A_12 = arith.constant 0 : index
    %swap3A_13 = vector.load %arg1[%swap3A, %swap3A_12] : memref<8192x128xi32, #tpu.memory_space<vmem>>, vector<8192x128xi32>
    tpu.vector_store %arg1[%swap3A, %swap3A_12], %reshape3A {strides = array<i32>} : memref<8192x128xi32, #tpu.memory_space<vmem>>, vector<8192x128xi32>,
    return
  }
}

module attributes {stable_mosaic.version = 14 : i64} {
  func.func @_finish_body(%arg0: memref<4096x64xf32, #tpu.memory_space<vmem>>, %arg1: memref<4096x200xi32, #tpu.memory_space<vmem>>, %arg2: memref<1x64xf32, #tpu.memory_space<vmem>>, %arg3: memref<4096x1xf32, #tpu.memory_space<vmem>>, %arg4: memref<64x8xf32, #tpu.memory_space<vmem>>, %arg5: memref<1x8xf32, #tpu.memory_space<vmem>>, %arg6: memref<4096x8xf32, #tpu.memory_space<vmem>>) attributes {dimension_semantics = [], scalar_prefetch = 0 : i64, scratch_operands = 0 : i64, tpu.core_type = #tpu.core_type<tc>} {
    %get3A = arith.constant 0 : index
    %get3A_0 = arith.constant 0 : index
    %get3A_1 = vector.load %arg1[%get3A, %get3A_0] : memref<4096x200xi32, #tpu.memory_space<vmem>>, vector<4096x200xi32>
    %eq3A = arith.constant 0 : i32
    %eq3A_2 = vector.broadcast %eq3A : i32 to vector<4096x200xi32>
    %eq3A_3 = arith.cmpi eq, %get3A_1, %eq3A_2 : vector<4096x200xi32>
    %jit3A = arith.constant 1.000000e+00 : f32
    %jit3A_4 = arith.constant 0.000000e+00 : f32
    %broadcast_in_dim3A = vector.broadcast %jit3A : f32 to vector<4096x200xf32>
    %broadcast_in_dim3A_5 = vector.broadcast %jit3A_4 : f32 to vector<4096x200xf32>
    %select_n3A = arith.select %eq3A_3, %broadcast_in_dim3A, %broadcast_in_dim3A_5 : vector<4096x200xi1>, vector<4096x200xf32>
    %reduce_sum3A = arith.constant dense<0.000000e+00> : vector<4096xf32>
    %reduce_sum3A_6 = vector.multi_reduction <add>, %select_n3A, %reduce_sum3A [1] : vector<4096x200xf32> to vector<4096xf32>
    %broadcast_in_dim3A_7 = vector.shape_cast %reduce_sum3A_6 : vector<4096xf32> to vector<4096x1xf32>
    %get3A_8 = arith.constant 0 : index
    %get3A_9 = arith.constant 0 : index
    %get3A_10 = vector.load %arg0[%get3A_8, %get3A_9] : memref<4096x64xf32, #tpu.memory_space<vmem>>, vector<4096x64xf32>
    %get3A_11 = arith.constant 0 : index
    %get3A_12 = arith.constant 0 : index
    %get3A_13 = vector.load %arg2[%get3A_11, %get3A_12] : memref<1x64xf32, #tpu.memory_space<vmem>>, vector<1x64xf32>
    %mul3A = vector.broadcast %broadcast_in_dim3A_7 : vector<4096x1xf32> to vector<4096x64xf32>
    %mul3A_14 = vector.broadcast %get3A_13 : vector<1x64xf32> to vector<4096x64xf32>
    %mul3A_15 = arith.mulf %mul3A, %mul3A_14 : vector<4096x64xf32>
    %sub3A = arith.subf %get3A_10, %mul3A_15 : vector<4096x64xf32>
    %get3A_16 = arith.constant 0 : index
    %get3A_17 = arith.constant 0 : index
    %get3A_18 = vector.load %arg3[%get3A_16, %get3A_17] : memref<4096x1xf32, #tpu.memory_space<vmem>>, vector<4096x1xf32>
    %div3A = vector.broadcast %get3A_18 : vector<4096x1xf32> to vector<4096x64xf32>
    %div3A_19 = arith.divf %sub3A, %div3A : vector<4096x64xf32>
    %get3A_20 = arith.constant 0 : index
    %get3A_21 = arith.constant 0 : index
    %get3A_22 = vector.load %arg4[%get3A_20, %get3A_21] : memref<64x8xf32, #tpu.memory_space<vmem>>, vector<64x8xf32>
    %dot_general3A = arith.constant dense<0.000000e+00> : vector<4096x8xf32>
    %dot_general3A_23 = tpu.matmul %div3A_19, %get3A_22, %dot_general3A {dimension_numbers = #tpu.dot_dimension_numbers<[1], [0], [0], [1], [0, 0, 1, 1], [], []>, transpose_lhs_hint = false} : vector<4096x64xf32>, vector<64x8xf32>, vector<4096x8xf32> -> vector<4096x8xf32>
    %get3A_24 = arith.constant 0 : index
    %get3A_25 = arith.constant 0 : index
    %get3A_26 = vector.load %arg5[%get3A_24, %get3A_25] : memref<1x8xf32, #tpu.memory_space<vmem>>, vector<1x8xf32>
    %add3A = vector.broadcast %get3A_26 : vector<1x8xf32> to vector<4096x8xf32>
    %add3A_27 = arith.addf %dot_general3A_23, %add3A : vector<4096x8xf32>
    %swap3A = arith.constant 0 : index
    %swap3A_28 = arith.constant 0 : index
    %swap3A_29 = vector.load %arg6[%swap3A, %swap3A_28] : memref<4096x8xf32, #tpu.memory_space<vmem>>, vector<4096x8xf32>
    tpu.vector_store %arg6[%swap3A, %swap3A_28], %add3A_27 {strides = array<i32>} : memref<4096x8xf32, #tpu.memory_space<vmem>>, vector<4096x8xf32>,
    return
  }
}

</mosaic_0001>

<sc_bundles>
// kernel: kernel.6.cloned.1.call-start
scs
__scs_entry_jumppad:
0x0: {  	(pc) =	sbr.rel $0x88, $3  }
0x1: {  	(tag) =	ssettag $0x0;
	lr =	simm.s32 $0x1  }
0x2: {  	[smem:$0x3F9C] =	sst lr;
	_ =	strace $0xD0000000  }
0x3: {  	_ = 	snop  }
0x4: {  	_ = 	snop  }
0x5: {  	_ = 	snop  }
0x6: {  	_ = 	snop  }
0x7: {  	_ = 	snop  }
__scs_overlays_trampoline_lowered:
0x8: {  	[smem:$0x3FAB] =	sst s0  }
0x9: {  	[smem:$0x3FAC] =	sst s1  }
0xa: {  	[smem:$0x3FAD] =	sst s2  }
0xb: {  	[smem:$0x3FAE] =	sst s3  }
0xc: {  	[smem:$0x3FAF] =	sst s4  }
0xd: {  	[smem:$0x3FB0] =	sst s5  }
0xe: {  	[smem:$0x3FB1] =	sst s6  }
0xf: {  	[smem:$0x3FB2] =	sst s7  }
0x10: {  	[smem:$0x3FB3] =	sst s8  }
0x11: {  	[smem:$0x3FB4] =	sst s9;
	s0 =	simm.s32 @!p0 $0x0  }
0x12: {  	s1 =	sld [smem:$0x3F9A];
	s0 =	simm.s32 @p0 $0x1  }
0x13: {  	[smem:$0x3FB5] =	sst s0;
	s0 =	simm.s32 @!p1 $0x0  }
0x14: {  	s2 =	sld [smem:$0x3F99];
	s0 =	simm.s32 @p1 $0x1  }
0x15: {  	[smem:$0x3FB6] =	sst s0;
	s0 =	simm.s32 @!p2 $0x0  }
0x16: {  	s3 =	sld [smem:$0x3FDB];
	s0 =	simm.s32 @p2 $0x1  }
0x17: {  	s4 =	simm.s32 $0x1BF5;
	[smem:$0x3FB8] =	sst s0  }
0x18: {  	s0 =	sld [smem:$0x3F9B];
	_ =	swait.ge [sflag:s4], $0x0  }
0x19: {  	s7 =	sld [smem:$0x3F9C]  }
0x1a: {  	s8 =	sadd.s32 $0xFFFFE003, lr  }
0x1b: {  	s9 =	sadd.s32 $0xFFFFFEF7, lr;
	s5 =	simm.s32 $0xFFFFFFFF;
	p2 =	slt.u32 s8, $0xFFFFF086  }
0x1c: {  	p1 =	slt.u32 s9, $0xF7A;
	s5 =	simm.s32 @!p2 $0x0  }
0x1d: {  	s5 =	simm.s32 @p1 $0x1;
	p0 =	seq.s32 s7, s2  }
0x1e: {  	s7 =	smul.u32 @!p0 $0xF7A, s2;
	p2 =	seq.s32 @!p0 s5, $0x0  }
0x1f: {  	s9 =	smul.u32 $0xF7A, s1;
	s8 =	simm.s32 @!p0 $0x1BF5;
	p2 =	por !p2, p0  }
0x20: {  	[sflag:s8] =	ssyncset.s32 @!p0 $0xFFFFF086;
	s6 =	sadd.s32 @!p0 s3, s7;
	s7 =	simm.s32 @!p0 $0x108  }
0x21: {  	s3 =	sadd.s32 s3, s9;
	s6 =	sadd.s32 @!p0 $0x88, s6;
	s7 =	simm.s32 @p2 $0x1082  }
0x22: {  	[simem:s7], [sflag:s8] =	dma.local @!p0 [hbm:s6], $0xF7A  }
0x23: {  	s9 =	sor.u32 $0xD0000000, s2;
	s6 =	simm.s32 $0x108;
	_ =	swait.ge @!p0 [sflag:s8], $0x0  }
0x24: {  	s3 =	sadd.s32 $0x88, s3;
	s6 =	simm.s32 @!p1 $0x1082;
	[sflag:s4] =	ssyncset.s32 $0xFFFFF086  }
0x25: {  	[simem:s6], [sflag:s4] =	dma.local [hbm:s3], $0xF7A  }
0x26: {  	[smem:$0x3F9C] =	sst s1;
	(tag) =	ssettag s2;
	_ =	strace s9  }
0x27: {  	s1 =	sld [smem:$0x3FAC]  }
0x28: {  	s2 =	sld [smem:$0x3FAD]  }
0x29: {  	s4 =	sld [smem:$0x3FAF]  }
0x2a: {  	p0 =	seq.s32 s5, $0x0;
	s5 =	sld [smem:$0x3FB0]  }
0x2b: {  	s6 =	sld [smem:$0x3FB1]  }
0x2c: {  	s7 =	sld [smem:$0x3FB2]  }
0x2d: {  	s3 =	simm.s32 $0x108;
	s8 =	sld [smem:$0x3FB3]  }
0x2e: {  	s3 =	simm.s32 @!p0 $0x1082;
	s9 =	sld [smem:$0x3FB4]  }
0x2f: {  	lr =	sadd.s32 s0, s3;
	s0 =	sld [smem:$0x3FAB]  }
0x30: {  	s3 =	sld [smem:$0x3FAE]  }
0x31: {  	[smem:$0x3FB7] =	sst s10  }
0x32: {  	s10 =	sld [smem:$0x3FB5];
	_ =	sdelay $0x3  }
0x33: {  	p0 =	seq.s32 s10, $0x1;
	s10 =	sld [smem:$0x3FB7];
	_ =	sdelay $0x3  }
0x34: {  	[smem:$0x3FB7] =	sst s10  }
0x35: {  	s10 =	sld [smem:$0x3FB6];
	_ =	sdelay $0x3  }
0x36: {  	p1 =	seq.s32 s10, $0x1;
	s10 =	sld [smem:$0x3FB7];
	_ =	sdelay $0x3  }
0x37: {  	[smem:$0x3FB7] =	sst s10  }
0x38: {  	s10 =	sld [smem:$0x3FB8]  }
0x39: {  	_ = 	snop;
	(pc) =	sbr.ind lr, $3  }
0x3a: {  	_ = 	snop  }
0x3b: {  	_ = 	snop  }
0x3c: {  	p2 =	seq.s32 s10, $0x1;
	s10 =	sld [smem:$0x3FB7]  }
0x3d: {  	_ =	shalt  }
0x3e: {  	_ =	shalt  }
0x3f: {  	_ =	shalt  }
0x40: {  	_ =	shalt  }
0x41: {  	_ =	shalt  }
0x42: {  	_ =	shalt  }
0x43: {  	_ =	shalt  }
0x44: {  	_ =	shalt  }
0x45: {  	_ =	shalt  }
0x46: {  	_ =	shalt  }
0x47: {  	_ =	shalt  }
0x48: {  	_ =	shalt  }
0x49: {  	_ =	shalt  }
0x4a: {  	_ =	shalt  }
0x4b: {  	_ =	shalt  }
0x4c: {  	_ =	shalt  }
0x4d: {  	_ =	shalt  }
0x4e: {  	_ =	shalt  }
0x4f: {  	_ =	shalt  }
0x50: {  	_ =	shalt  }
0x51: {  	_ =	shalt  }
0x52: {  	_ =	shalt  }
0x53: {  	_ =	shalt  }
0x54: {  	_ =	shalt  }
0x55: {  	_ =	shalt  }
0x56: {  	_ =	shalt  }
0x57: {  	_ =	shalt  }
0x58: {  	_ =	shalt  }
0x59: {  	_ =	shalt  }
0x5a: {  	_ =	shalt  }
0x5b: {  	_ =	shalt  }
0x5c: {  	_ =	shalt  }
0x5d: {  	_ =	shalt  }
0x5e: {  	_ =	shalt  }
0x5f: {  	_ =	shalt  }
0x60: {  	_ =	shalt  }
0x61: {  	_ =	shalt  }
0x62: {  	_ =	shalt  }
0x63: {  	_ =	shalt  }
0x64: {  	_ =	shalt  }
0x65: {  	_ =	shalt  }
0x66: {  	_ =	shalt  }
0x67: {  	_ =	shalt  }
0x68: {  	_ =	shalt  }
0x69: {  	_ =	shalt  }
0x6a: {  	_ =	shalt  }
0x6b: {  	_ =	shalt  }
0x6c: {  	_ =	shalt  }
0x6d: {  	_ =	shalt  }
0x6e: {  	_ =	shalt  }
0x6f: {  	_ =	shalt  }
0x70: {  	_ =	shalt  }
0x71: {  	_ =	shalt  }
0x72: {  	_ =	shalt  }
0x73: {  	_ =	shalt  }
0x74: {  	_ =	shalt  }
0x75: {  	_ =	shalt  }
0x76: {  	_ =	shalt  }
0x77: {  	_ =	shalt  }
0x78: {  	_ =	shalt  }
0x79: {  	_ =	shalt  }
0x7a: {  	_ =	shalt  }
0x7b: {  	_ =	shalt  }
0x7c: {  	_ =	shalt  }
0x7d: {  	_ =	shalt  }
0x7e: {  	_ =	shalt  }
0x7f: {  	_ =	shalt  }
0x80: {  	_ =	shalt  }
0x81: {  	_ =	shalt  }
0x82: {  	_ =	shalt  }
0x83: {  	_ =	shalt  }
0x84: {  	_ =	shalt  }
0x85: {  	_ =	shalt  }
0x86: {  	_ =	shalt  }
0x87: {  	_ =	shalt  }
.Lfunc_end0:
.L_simem_size_0:
called_computation_lowered:
.L_overlay_start_0:
0x88: {  	s2 =	sld [smem:$0x3FD9]  }
0x89: {  	s3 =	sld [smem:$0x3FFE];
	_ =	sdelay $0x1  }
0x8a: {  	s1 =	srdreg.scid  }
0x8b: {  	s0 =	sand.u32 $0x1, s1  }
0x8c: {  	s16 =	sshll.u32 s0, $0xA;
	s2 =	sadd.s32 s3, s2  }
0x8d: {  	s2 =	sadd.s32 s2, s16  }
0x8e: {  	[smem:$0x3FC3] =	sst s2  }
0x8f: {  	_ = 	snop  }
0x90: {  	(tm) =	ssettm $0x1  }
0x91: {  	s17 =	sld [smem:$0x3FFB];
	_ =	sdelay $0x3  }
0x92: {  	_ =	strace s17  }
0x93: {  	s2 =	sld [smem:$0x3FFC];
	_ =	sdelay $0x3  }
0x94: {  	_ =	strace s2  }
0x95: {  	s2 =	sld [smem:$0x3FFD];
	_ =	sdelay $0x3  }
0x96: {  	_ =	strace s2  }
0x97: {  	_ =	strace $0x8FFFFFFF  }
0x98: {  	s18 =	sld [smem:$0x3FDB];
	_ =	sdelay $0x1  }
0x99: {  	s19 =	simm.s32 $_scs_section_size  }
0x9a: {  	s4 =	simm.s32 $_size__tile_overlayer_lowered;
	s5 =	simm.s32 $_tile_overlayer_lowered  }
0x9b: {  	s22 =	simm.s32 $0x1BFF;
	s21 =	sshll.u32 s5, $0x1;
	s2 =	sadd.s32 s19, s18  }
0x9c: {  	s6 =	simm.s32 $0x0;
	s20 =	sshll.u32 s4, $0x1;
	s4 =	sadd.s32 s21, s2  }
0x9d: {  	[timem:s6], [sflag:s22] =	dma.local [hbm:s4], s20  }
0x9e: {  	_ =	swait.ge [sflag:s22], s20  }
0x9f: {  	s3 =	ssub.s32 $0x0, s20;
	[sflag:s22] =	ssyncset.done $0x0  }
0xa0: {  	[sflag:s22] =	ssyncadd.s32 s3;
	_ =	sdelay $0x1  }
0xa1: {  	s23 =	simm.s32 $0x1B8B  }
0xa2: {  	_ =	swait.ge [sflag:s23], $0x1  }
0xa3: {  	[sflag:s23] =	ssyncset.done $0x0  }
0xa4: {  	s25 =	simm.s32 $0x1B8E;
	s24 =	sld [smem:$0x3FFE];
	[sflag:s23] =	ssyncadd.s32 $0xFFFFFFFF  }
0xa5: {  	s26 =	simm.s32 $execute0_lowered;
	[smem:$0x3FD2] =	sst s25  }
0xa6: {  	s4 =	sshll.u32 s26, $0x1;
	_ =	strace $0x80000046;
	[dreg:$0x1] =	wrdreg $0xFFFFFFFF  }
0xa7: {  	s28 =	simm.s32 $_size_execute0_lowered;
	s2 =	sadd.s32 s2, s4;
	[dreg:$0x0] =	wrdreg $0x0  }
0xa8: {  	s4 =	sshll.u32 s28, $0x1;
	[dreg:$0x2] =	wrdreg s2  }
0xa9: {  	[dreg:$0x3] =	wrdreg s4  }
0xaa: {  	[dreg:$0x4] =	wrdreg $0xC0  }
0xab: {  	_ =	task [dreg:s6], $0x5FFFF  }
0xac: {  	[dreg:$0x1] =	wrdreg $0xFFFFFFFF  }
0xad: {  	[dreg:$0x0] =	wrdreg $0x60  }
0xae: {  	[dreg:$0x2] =	wrdreg s24  }
0xaf: {  	[dreg:$0x3] =	wrdreg $0x9  }
0xb0: {  	_ =	task.clear_ibuf [dreg:s6], $0x4FFFF;
	_ =	strace $0x90000046  }
0xb1: {  	s29 =	simm.s32 $0x9;
	_ =	strace $0x80000048  }
0xb2: {  	_ =	swait.ge [sflag:s29], $0x1  }
0xb3: {  	[sflag:s29] =	ssyncadd.s32 $0xFFFFFFFF  }
0xb4: {  	_ =	strace $0x90000048  }
0xb5: {  	_ =	sfence  }
0xb6: {  	s30 =	sld [smem:$0x0];
	_ =	sdelay $0x2  }
0xb7: {  	s31 =	sshll.u32 s1, $0xD;
	s1 =	sshrl.u32 s1, $0x2  }
0xb8: {  	s3 =	sand.u32 $0x4000, s31;
	s1 =	sadd.s32 s1, s30  }
0xb9: {  	s0 =	sor.u32 s3, s0;
	s1 =	sshll.u32 s1, $0x11  }
0xba: {  	s0 =	sor.u32 s1, s0  }
0xbb: {  	s0 =	sadd.s32 $0x8F2B, s0  }
0xbc: {  	[sflag:s0] =	ssyncadd.remote.s32 $0x1  }
0xbd: {  	_ =	sfence.sel $0xFFFF  }
0xbe: {  	[dreg:$0x0] =	wrdreg $0xFFFFFFFF;
	(pc) =	sbr.abs _section_cstart, $3  }
0xbf: {  	[dreg:$0x1] =	wrdreg $0xFFFFFFFF  }
0xc0: {  	_ =	task.clear_ibuf [dreg:s6], $0x2FFFF;
	_ =	strace $0x9FFFFFFF  }
0xc1: {  	(tm) =	ssettm $0x7FFFFFFF  }
tec
execute0_lowered:
.L_overlay_start_1:
0x0: {  	(tag) =	ssettag $0x1  }
0x1: {  	s4 =	rddreg [dreg:$0x0]  }
0x2: {  	s0 =	rddreg [dreg:$0x1]  }
0x3: {  	s3 =	srdreg.scid;
	s1 =	stileid.u32;
	s2 =	simm.s32 $0x0  }
0x4: {  	s8 =	simm.s32 $0x80;
	s9 =	simm.s32 $0x8000;
	s10 =	simm.s32 $0x48  }
0x5: {  	s11 =	simm.s32 $0xA000;
	s12 =	simm.s32 $0xB200;
	s13 =	simm.s32 $0xD200  }
0x6: {  	s14 =	simm.s32 $0x1;
	s15 =	simm.s32 $0x2;
	s16 =	simm.s32 $0xE400  }
0x7: {  	s3 =	sand.u32 $0x1, s3;
	s5 =	sshll.u32 s1, $0x1;
	[smem:$0x7FF] =	sst s2  }
0x8: {  	s17 =	simm.s32 $0x0;
	s5 =	sor.u32 s3, s5;
	_ =	strace $0x80000047  }
0x9: {  	s7 =	ssub.s32 $0x2, s3;
	s3 =	sadd.s32 $0x41000, s4;
	s6 =	sshll.u32 s5, $0xC  }
0xa: {  	s5 =	sshll.u32 s5, $0xA;
	s31 =	sshrl.u32 s7, $0x1;
	s6 =	sadd.s32 s6, s4  }
0xb: {  	s5 =	sadd.s32 s5, s4;
	s7 =	ssub.s32 s7, s31;
	s4 =	sadd.s32 $0x21000, s6  }
0xc: {  	s5 =	sadd.s32 $0x801000, s5;
	s6 =	smax.u32 s7, $0x1;
	s7 =	simm.s32 $0x3  }
.LBB2_1:
0xd: {  	[tilespmem:s2], [sflag:$0x3] =	stream.linear.gather [hbm4b:s4+s2], $0x8000, $0x38;
	[tilespmem:$0x10400] =	vst v63  }
0xe: {  	_ =	swait.ge [sflag:s7], $0x8000  }
0xf: {  	[sflag:s7] =	ssyncset.done $0x0  }
0x10: {  	[sflag:s7] =	ssyncadd.s32 $0xFFFF8000  }
0x11: {  	[tilespmem:s9], [sflag:$0x1] =	stream.indirect.gather [hbm4b:s3+s8], $0x40, s2, s8, $0xb8;
	[tilespmem:$0x10400] =	vst v63  }
0x12: {  	s18 =	simm.s32 $0x0  }
0x13: {  	[tilespmem:s11], [sflag:$0x1] =	stream.indirect.gather [hbm4b:s3+s10], $0x40, s8, s10, $0xb8;
	[tilespmem:$0x10400] =	vst v63  }
.LBB2_2:
0x14: {  	s19 =	sshllo.u32 s18, $0x1  }
0x15: {  	s20 =	sshll.u32 s19, $0x8  }
0x16: {  	s20 =	sand.u32 $0x3FFFFF00, s20  }
0x17: {  	[tilespmem:s12], [sflag:$0x2] =	stream.indirect.gather [hbm4b:s3+s8], $0x40, s20, s8, $0xb8;
	[tilespmem:$0x10400] =	vst v63  }
0x18: {  	s20 =	sor.u32 $0x80, s20  }
0x19: {  	[tilespmem:s13], [sflag:$0x2] =	stream.indirect.gather [hbm4b:s3+s10], $0x40, s20, s10, $0xb8;
	[tilespmem:$0x10400] =	vst v63  }
0x1a: {  	_ =	swait.ge [sflag:s14], $0x2000  }
0x1b: {  	[sflag:s14] =	ssyncset.done $0x0  }
0x1c: {  	[sflag:s14] =	ssyncadd.s32 $0xFFFFE000  }
0x1d: {  	_ =	swait.ge [sflag:s14], $0x1200  }
0x1e: {  	[sflag:s14] =	ssyncset.done $0x0  }
0x1f: {  	s20 =	simm.s32 $0x0;
	[sflag:s14] =	ssyncadd.s32 $0xFFFFEE00  }
0x20: {  	v1 =	vld [tilespmem:s20+$0xA000]  }
0x21: {  	v0 =	vld [tilespmem:s20+$0xA010]  }
0x22: {  	v2 =	vld [tilespmem:s20+$0x8000]  }
0x23: {  	v5 =	vimm.f32 $0.0e+00;
	v3 =	vld [tilespmem:s20+$0x8010]  }
0x24: {  	s21 =	simm.s32 $0x100;
	v6 =	vimm.f32 $0.0e+00;
	v7 =	vimm.f32 $0.0e+00;
	v8 =	vimm.f32 $0.0e+00;
	v4 =	vld [tilespmem:s20+$0x8020]  }
.LBB2_3:
0x25: {  	p0 =	sne.s32 s21, $0x4700;
	v9 =	vld [tilespmem:s20+$0x8030];
	v10 =	vmov v1  }
0x26: {  	v11 =	vld [tilespmem:s20+$0xA020];
	v12 =	vmov v0  }
0x27: {  	v13 =	vld [tilespmem:s20+$0xA030];
	s20 =	sshra.s32 s21, $0x2  }
.Ltmp0:
0x28: {  	v1 =	vld [tilespmem:s20+$0xA000];
	(pc) =	sbr.rel @p0 .LBB2_3-.Ltmp0, $4  }
0x29: {  	v5 =	vadd.f32 v2, v5;
	v6 =	vadd.f32 v3, v6;
	v0 =	vld [tilespmem:s20+$0xA010]  }
0x2a: {  	v7 =	vadd.f32 v4, v7;
	v2 =	vld [tilespmem:s20+$0x8000];
	v8 =	vadd.f32 v9, v8  }
0x2b: {  	v5 =	vadd.f32 v10, v5;
	v6 =	vadd.f32 v12, v6;
	v3 =	vld [tilespmem:s20+$0x8010]  }
0x2c: {  	s21 =	sadd.s32 $0x100, s21;
	v7 =	vadd.f32 v11, v7;
	v4 =	vld [tilespmem:s20+$0x8020];
	v8 =	vadd.f32 v13, v8  }
0x2d: {  	v9 =	vld [tilespmem:s20+$0x8030]  }
0x2e: {  	v10 =	vld [tilespmem:s20+$0xA020]  }
0x2f: {  	v11 =	vld [tilespmem:s20+$0xA030]  }
0x30: {  	s21 =	simm.s32 $0x0  }
0x31: {  	v12 =	vadd.f32 v2, v5;
	v2 =	vld [tilespmem:s21+$0x9230];
	v3 =	vadd.f32 v3, v6  }
0x32: {  	v5 =	vld [tilespmem:s21+$0x9200];
	v7 =	vadd.f32 v4, v7;
	v8 =	vadd.f32 v9, v8  }
0x33: {  	v6 =	vld [tilespmem:s21+$0x9210];
	v4 =	vadd.f32 v1, v12;
	v1 =	vadd.f32 v0, v3  }
0x34: {  	s20 =	simm.s32 $0x100;
	v3 =	vadd.f32 v10, v7;
	v7 =	vld [tilespmem:s21+$0x9220];
	v0 =	vadd.f32 v11, v8  }
.LBB2_5:
0x35: {  	p0 =	sne.s32 s20, $0x3700  }
.Ltmp1:
0x36: {  	s21 =	sshra.s32 s20, $0x2;
	s20 =	sadd.s32 $0x100, s20;
	v0 =	vadd.f32 v2, v0;
	(pc) =	sbr.rel @p0 .LBB2_5-.Ltmp1, $4  }
0x37: {  	v2 =	vld [tilespmem:s21+$0x9230];
	v4 =	vadd.f32 v5, v4  }
0x38: {  	v5 =	vld [tilespmem:s21+$0x9200];
	v1 =	vadd.f32 v6, v1  }
0x39: {  	v6 =	vld [tilespmem:s21+$0x9210];
	v3 =	vadd.f32 v7, v3  }
0x3a: {  	v7 =	vld [tilespmem:s21+$0x9220]  }
0x3b: {  	_ = 	snop  }
0x3c: {  	s20 =	sshll.u32 s18, $0x7;
	v0 =	vadd.f32 v2, v0  }
0x3d: {  	s20 =	sand.u32 $0x3FFFFF80, s20;
	v4 =	vadd.f32 v5, v4  }
0x3e: {  	p0 =	seq.s32 s18, $0x3F;
	v1 =	vadd.f32 v6, v1;
	[tilespmem:s20+$0xE430] =	vst v0  }
0x3f: {  	s21 =	sshll.u32 @!p0 s18, $0x9;
	v3 =	vadd.f32 v7, v3;
	[tilespmem:s20+$0xE400] =	vst v4  }
0x40: {  	s21 =	sand.u32 @!p0 $0x3FFFFE00, s21;
	[tilespmem:s20+$0xE410] =	vst v1  }
0x41: {  	s22 =	simm.s32 @!p0 $0x80;
	s23 =	simm.s32 @!p0 $0x8000;
	[tilespmem:s20+$0xE420] =	vst v3;
	s20 =	sadd.s32 @!p0 $0x200, s21  }
0x42: {  	[tilespmem:s23], [sflag:$0x1] =	stream.indirect.gather @!p0 [hbm4b:s3+s22], $0x40, s20, s22, $0xb8;
	[tilespmem:$0x10400] =	vst v63  }
0x43: {  	s20 =	sadd.s32 @!p0 $0x280, s21;
	s21 =	simm.s32 @!p0 $0x48;
	s22 =	simm.s32 @!p0 $0xA000  }
0x44: {  	[tilespmem:s22], [sflag:$0x1] =	stream.indirect.gather @!p0 [hbm4b:s3+s21], $0x40, s20, s21, $0xb8;
	[tilespmem:$0x10400] =	vst v63  }
0x45: {  	_ =	swait.ge [sflag:s15], $0x2000  }
0x46: {  	[sflag:s15] =	ssyncset.done $0x0  }
0x47: {  	[sflag:s15] =	ssyncadd.s32 $0xFFFFE000  }
0x48: {  	_ =	swait.ge [sflag:s15], $0x1200  }
0x49: {  	[sflag:s15] =	ssyncset.done $0x0  }
0x4a: {  	s20 =	simm.s32 $0x0;
	[sflag:s15] =	ssyncadd.s32 $0xFFFFEE00  }
0x4b: {  	v1 =	vld [tilespmem:s20+$0xD200]  }
0x4c: {  	v0 =	vld [tilespmem:s20+$0xD210]  }
0x4d: {  	v2 =	vld [tilespmem:s20+$0xB200]  }
0x4e: {  	v8 =	vimm.f32 $0.0e+00;
	v3 =	vld [tilespmem:s20+$0xB210]  }
0x4f: {  	v5 =	vimm.f32 $0.0e+00;
	v6 =	vimm.f32 $0.0e+00;
	v7 =	vimm.f32 $0.0e+00;
	s21 =	simm.s32 $0x100;
	v4 =	vld [tilespmem:s20+$0xB220]  }
.LBB2_7:
0x50: {  	p0 =	sne.s32 s21, $0x4700;
	v9 =	vld [tilespmem:s20+$0xB230];
	v10 =	vmov v1  }
0x51: {  	v11 =	vld [tilespmem:s20+$0xD220];
	v12 =	vmov v0  }
0x52: {  	v13 =	vld [tilespmem:s20+$0xD230];
	s20 =	sshra.s32 s21, $0x2  }
.Ltmp2:
0x53: {  	v1 =	vld [tilespmem:s20+$0xD200];
	(pc) =	sbr.rel @p0 .LBB2_7-.Ltmp2, $4  }
0x54: {  	v5 =	vadd.f32 v2, v5;
	v6 =	vadd.f32 v3, v6;
	v0 =	vld [tilespmem:s20+$0xD210]  }
0x55: {  	v7 =	vadd.f32 v4, v7;
	v2 =	vld [tilespmem:s20+$0xB200];
	v8 =	vadd.f32 v9, v8  }
0x56: {  	v5 =	vadd.f32 v10, v5;
	v6 =	vadd.f32 v12, v6;
	v3 =	vld [tilespmem:s20+$0xB210]  }
0x57: {  	s21 =	sadd.s32 $0x100, s21;
	v7 =	vadd.f32 v11, v7;
	v4 =	vld [tilespmem:s20+$0xB220];
	v8 =	vadd.f32 v13, v8  }
0x58: {  	v9 =	vld [tilespmem:s20+$0xB230]  }
0x59: {  	v10 =	vld [tilespmem:s20+$0xD220]  }
0x5a: {  	v11 =	vld [tilespmem:s20+$0xD230]  }
0x5b: {  	s21 =	simm.s32 $0x0  }
0x5c: {  	v12 =	vadd.f32 v2, v5;
	v2 =	vld [tilespmem:s21+$0xC430];
	v3 =	vadd.f32 v3, v6  }
0x5d: {  	v5 =	vld [tilespmem:s21+$0xC400];
	v7 =	vadd.f32 v4, v7;
	v8 =	vadd.f32 v9, v8  }
0x5e: {  	v6 =	vld [tilespmem:s21+$0xC410];
	v4 =	vadd.f32 v1, v12;
	v1 =	vadd.f32 v0, v3  }
0x5f: {  	s20 =	simm.s32 $0x100;
	v3 =	vadd.f32 v10, v7;
	v7 =	vld [tilespmem:s21+$0xC420];
	v0 =	vadd.f32 v11, v8  }
.LBB2_9:
0x60: {  	p0 =	sne.s32 s20, $0x3700  }
.Ltmp3:
0x61: {  	s21 =	sshra.s32 s20, $0x2;
	s20 =	sadd.s32 $0x100, s20;
	v0 =	vadd.f32 v2, v0;
	(pc) =	sbr.rel @p0 .LBB2_9-.Ltmp3, $4  }
0x62: {  	v2 =	vld [tilespmem:s21+$0xC430];
	v4 =	vadd.f32 v5, v4  }
0x63: {  	v5 =	vld [tilespmem:s21+$0xC400];
	v1 =	vadd.f32 v6, v1  }
0x64: {  	v6 =	vld [tilespmem:s21+$0xC410];
	v3 =	vadd.f32 v7, v3  }
0x65: {  	v7 =	vld [tilespmem:s21+$0xC420]  }
0x66: {  	s18 =	sadd.s32 $0x1, s18  }
0x67: {  	s19 =	sshll.u32 s19, $0x6;
	v0 =	vadd.f32 v2, v0;
	p0 =	sne.s32 s18, $0x40  }
.Ltmp4:
0x68: {  	s19 =	sand.u32 $0x3FFFFFC0, s19;
	v4 =	vadd.f32 v5, v4;
	(pc) =	sbr.rel @p0 .LBB2_2-.Ltmp4, $4  }
0x69: {  	v1 =	vadd.f32 v6, v1;
	[tilespmem:s19+$0xE430] =	vst v0  }
0x6a: {  	v3 =	vadd.f32 v7, v3;
	[tilespmem:s19+$0xE400] =	vst v4  }
0x6b: {  	[tilespmem:s19+$0xE410] =	vst v1  }
0x6c: {  	[tilespmem:s19+$0xE420] =	vst v3  }
0x6d: {  	s17 =	sadd.s32 $0x1, s17  }
0x6e: {  	p0 =	sne.s32 s17, s6  }
.Ltmp5:
0x6f: {  	_ = 	snop;
	(pc) =	sbr.rel @p0 .LBB2_1-.Ltmp5, $4  }
0x70: {  	[hbm4b:s5+s2] =	stream.linear.scatter [tilespmem:s16], [sflag:$0x3], $0x2000, $0x38;
	[tilespmem:$0x10400] =	vst v63  }
0x71: {  	_ =	swait.ge [sflag:s7], $0x2000  }
0x72: {  	[sflag:s7] =	ssyncset.done $0x0  }
0x73: {  	[sflag:s7] =	ssyncadd.s32 $0xFFFFE000  }
0x74: {  	_ =	sfence.sel $0x180000  }
0x75: {  	[bflag:$0x0] =	sbarrier.arrive $0xFFFF  }
0x76: {  	p0 =	sne.s32 s1, $0x0;
	_ =	strace $0x90000047  }
0x77: {  	s0 =	sadd.s32 @!p0 $0x100000, s0;
	[bflag:$0x2] =	sbarrier.arrive $0xFFFF  }
0x78: {  	[sflag:s0] =	ssyncadd.tile.s32 @!p0 $0x1;
	_ =	shalt  }
.Lfunc_end2:
_tile_overlayer_lowered:
.L_overlay_start_2:
0x79: {  	(tag) =	ssettag $0x2  }
0x7a: {  	s0 =	rddreg [dreg:$0x0];
	s2 =	stileid.u32  }
0x7b: {  	s1 =	rddreg [dreg:$0x1];
	p0 =	sne.s32 s2, $0x0  }
0x7c: {  	s3 =	rddreg [dreg:$0x2];
	[bflag:$0x3] =	sbarrier.arrive $0xFFFF;
	s2 =	simm.s32 @!p0 $0x1C03  }
0x7d: {  	[timem:s3], [sflag:s2] =	dma.local @!p0 [hbm:s0], s1  }
0x7e: {  	s0 =	simm.s32 @!p0 $0x3  }
0x7f: {  	_ =	swait.ge @!p0 [sflag:s0], s1  }
0x80: {  	s1 =	ssub.s32 @!p0 $0x0, s1;
	[sflag:s0] =	ssyncset.done @!p0 $0x0  }
0x81: {  	[sflag:s0] =	ssyncadd.s32 @!p0 s1  }
0x82: {  	[bflag:$0x3] =	sbarrier.arrive $0xFFFF  }
0x83: {  	_ =	shalt  }

</sc_bundles>
